<compile_context>
chip_gen: v7x
topology: tpu7x:2x2x1
jax: 0.10.2.dev20260603
libtpu: 0.0.44.dev20260713+nightly
codegen_flags: <defaults>
</compile_context>

<pallas_src>
import functools

import jax
import jax.numpy as jnp
from jax import lax
from jax.experimental import pallas as pl
from jax.experimental.pallas import tpu as pltpu
from jax.experimental.pallas import tpu_sc as plsc

D_MODEL = 128
BATCH = 16384

_info = plsc.get_sparse_core_info()
_NC, _NS = _info.num_cores, _info.num_subcores
_NW = _NC * _NS
_B_PER_W = BATCH // _NW

_mesh = plsc.VectorSubcoreMesh(core_axis_name="c", subcore_axis_name="s")

_NCHUNK = 2
_CH = _B_PER_W // _NCHUNK


@functools.partial(
    pl.kernel,
    mesh=_mesh,
    out_type=(
        jax.ShapeDtypeStruct((BATCH, D_MODEL), jnp.float32),
        jax.ShapeDtypeStruct((BATCH,), jnp.float32),
    ),
    scratch_types=[
        pltpu.VMEM((_B_PER_W,), jnp.int32),
        pltpu.VMEM((_B_PER_W, D_MODEL), jnp.float32),
        pltpu.VMEM((_B_PER_W,), jnp.float32),
    ]
    + [pltpu.SemaphoreType.DMA] * (2 * _NCHUNK + 2),
)
def _gather_rows(weight_hbm, bias_hbm, idx_hbm, out_w_hbm, out_b_hbm,
                 idx_v, rows_v, bvals_v, *sems):
    wid = lax.axis_index("s") * _NC + lax.axis_index("c")
    base = wid * _B_PER_W
    pltpu.sync_copy(idx_hbm.at[pl.ds(base, _B_PER_W)], idx_v)
    cb = pltpu.async_copy(bias_hbm.at[idx_v], bvals_v, sems[2 * _NCHUNK])
    gathers = [
        pltpu.async_copy(
            weight_hbm.at[idx_v.at[pl.ds(c * _CH, _CH)]],
            rows_v.at[pl.ds(c * _CH, _CH)],
            sems[c],
        )
        for c in range(_NCHUNK)
    ]
    writes = []
    for c in range(_NCHUNK):
        gathers[c].wait()
        writes.append(
            pltpu.async_copy(
                rows_v.at[pl.ds(c * _CH, _CH)],
                out_w_hbm.at[pl.ds(base + c * _CH, _CH)],
                sems[_NCHUNK + c],
            )
        )
    cb.wait()
    writes.append(
        pltpu.async_copy(
            bvals_v, out_b_hbm.at[pl.ds(base, _B_PER_W)], sems[2 * _NCHUNK + 1]
        )
    )
    for w in writes:
        w.wait()


def kernel(coords, voxel_indices, weight, bias):
    del coords
    idx = voxel_indices.astype(jnp.int32)
    return _gather_rows(weight, bias, idx)

# --- scband reference (transcript-rebuilt; emitter-appended) ---
"""Pipeline reference for scband-voxel-non-share-linear-weight-89498528514656 (READ-ONLY COPY).

The authoritative reference and input builder live on the scoring server;
editing this copy changes nothing except your own understanding.
"""

import jax, jax.numpy as jnp
import numpy as np

D_MODEL = 128
N_VOXELS = 100000
BATCH = 16384


def setup_inputs(seed: int = 0) -> dict:
    key = jax.random.key(seed)
    k1, k2, k3, k4 = jax.random.split(key, 4)
    coords = jax.random.normal(k1, (BATCH, 3), dtype=jnp.float32)
    voxel_indices = jax.random.randint(k2, (BATCH,), 0, N_VOXELS, dtype=jnp.int64 if jax.config.jax_enable_x64 else jnp.int32)
    # learned parameters: nn.Linear(d_model, n_voxels) -> weight [n_voxels, d_model], bias [n_voxels]
    weight = jax.random.normal(k3, (N_VOXELS, D_MODEL), dtype=jnp.float32) * 0.02
    bias = jax.random.normal(k4, (N_VOXELS,), dtype=jnp.float32) * 0.02
    return {"coords": coords, "voxel_indices": voxel_indices, "weight": weight, "bias": bias}


def reference(coords, voxel_indices, weight, bias):
    # w = self.weight[voxel_indices]; b = self.bias[voxel_indices]
    w = jnp.take(weight, voxel_indices, axis=0)
    b = jnp.take(bias, voxel_indices, axis=0)
    return (w, b)

if __name__ == "__main__":
    import jax
    _d = setup_inputs()
    print(jax.jit(kernel)(*tuple(_d.values())))

</pallas_src>

<mosaic_0001>
#map = affine_map<(d0, d1) -> (0, 0)>
#map1 = affine_map<(d0, d1) -> (0)>
module attributes {stable_mosaic.version = 14 : i64} {
  func.func @_gather_rows(%arg0: i32, %arg1: i32, %arg2: memref<100000x128xf32, #tpu.memory_space<hbm>>, %arg3: memref<100000xf32, #tpu.memory_space<hbm>>, %arg4: memref<16384xi32, #tpu.memory_space<hbm>>, %arg5: memref<16384x128xf32, #tpu.memory_space<hbm>>, %arg6: memref<16384xf32, #tpu.memory_space<hbm>>, %arg7: memref<512xi32, #tpu.memory_space<vmem>>, %arg8: memref<512x128xf32, #tpu.memory_space<vmem>>, %arg9: memref<512xf32, #tpu.memory_space<vmem>>, %arg10: memref<!tpu.dma_semaphore, #tpu.memory_space<semaphore_mem>>, %arg11: memref<!tpu.dma_semaphore, #tpu.memory_space<semaphore_mem>>, %arg12: memref<!tpu.dma_semaphore, #tpu.memory_space<semaphore_mem>>, %arg13: memref<!tpu.dma_semaphore, #tpu.memory_space<semaphore_mem>>, %arg14: memref<!tpu.dma_semaphore, #tpu.memory_space<semaphore_mem>>, %arg15: memref<!tpu.dma_semaphore, #tpu.memory_space<semaphore_mem>>) attributes {dimension_semantics = [#tpu.dimension_semantics<core_parallel>, #tpu.dimension_semantics<subcore_parallel>], iteration_bounds = array<i64: 2, 16>, scalar_prefetch = 0 : i64, scratch_operands = 9 : i64, tpu.core_type = #tpu.core_type<sc_vector_subcore>, window_params = [{transform_indices = #map}, {transform_indices = #map1}, {transform_indices = #map1}, {transform_indices = #map}, {transform_indices = #map1}]} {
    %mul3A = arith.constant 2 : i32
    %mul3A_0 = arith.muli %arg1, %mul3A : i32
    %add3A = arith.addi %mul3A_0, %arg0 : i32
    %mul3A_1 = arith.constant 512 : i32
    %mul3A_2 = arith.muli %add3A, %mul3A_1 : i32
    "tpu.region"() ({
      %run_scoped3A = tpu.sem_alloc : memref<!tpu.dma_semaphore, #tpu.memory_space<semaphore_mem>>
      %dma_start3A_85 = tpu.memref_slice %arg4[%mul3A_2] : memref<16384xi32, #tpu.memory_space<hbm>> -> memref<512xi32, #tpu.memory_space<hbm>>
      %dma_start3A_86 = tpu.memref_slice %arg4[%mul3A_2] : memref<16384xi32, #tpu.memory_space<hbm>> -> memref<512xi32, #tpu.memory_space<hbm>>
      tpu.enqueue_dma source(%dma_start3A_86 : memref<512xi32, #tpu.memory_space<hbm>>) target(%arg7 : memref<512xi32, #tpu.memory_space<vmem>>) target_semaphore(%run_scoped3A : memref<!tpu.dma_semaphore, #tpu.memory_space<semaphore_mem>>)
      %dma_wait3A_87 = tpu.memref_slice %arg4[%mul3A_2] : memref<16384xi32, #tpu.memory_space<hbm>> -> memref<512xi32, #tpu.memory_space<hbm>>
      %dma_wait3A_88 = tpu.memref_slice %arg4[%mul3A_2] : memref<16384xi32, #tpu.memory_space<hbm>> -> memref<512xi32, #tpu.memory_space<hbm>>
      tpu.wait_dma2 semaphore(%run_scoped3A : memref<!tpu.dma_semaphore, #tpu.memory_space<semaphore_mem>>) src(%dma_wait3A_88 : memref<512xi32, #tpu.memory_space<hbm>>) dst(%arg7 : memref<512xi32, #tpu.memory_space<vmem>>)
      tpu.yield
    }) : () -> ()
    %dma_start3A = arith.constant 0 : i32
    %dma_start3A_3 = tpu.memref_slice %arg3[%dma_start3A] : memref<100000xf32, #tpu.memory_space<hbm>> -> memref<100000xf32, #tpu.memory_space<hbm>>
    tpu.enqueue_indirect_dma source(%dma_start3A_3 : memref<100000xf32, #tpu.memory_space<hbm>>) target(%arg9 : memref<512xf32, #tpu.memory_space<vmem>>) offsets(%arg7 : memref<512xi32, #tpu.memory_space<vmem>>) semaphore(%arg14 : memref<!tpu.dma_semaphore, #tpu.memory_space<semaphore_mem>>)
    %dma_start3A_4 = arith.constant 0 : i32
    %dma_start3A_5 = arith.constant 0 : i32
    %dma_start3A_6 = tpu.memref_slice %arg8[%dma_start3A_4, %dma_start3A_5] : memref<512x128xf32, #tpu.memory_space<vmem>> -> memref<256x128xf32, #tpu.memory_space<vmem>>
    %dma_start3A_7 = arith.constant 0 : i32
    %dma_start3A_8 = tpu.memref_slice %arg7[%dma_start3A_7] : memref<512xi32, #tpu.memory_space<vmem>> -> memref<256xi32, #tpu.memory_space<vmem>>
    %dma_start3A_9 = arith.constant 0 : i32
    %dma_start3A_10 = arith.constant 0 : i32
    %dma_start3A_11 = tpu.memref_slice %arg2[%dma_start3A_9, %dma_start3A_10] : memref<100000x128xf32, #tpu.memory_space<hbm>> -> memref<100000x128xf32, #tpu.memory_space<hbm>>
    tpu.enqueue_indirect_dma source(%dma_start3A_11 : memref<100000x128xf32, #tpu.memory_space<hbm>>) target(%dma_start3A_6 : memref<256x128xf32, #tpu.memory_space<vmem>>) offsets(%dma_start3A_8 : memref<256xi32, #tpu.memory_space<vmem>>) semaphore(%arg10 : memref<!tpu.dma_semaphore, #tpu.memory_space<semaphore_mem>>)
    %dma_start3A_12 = arith.constant 256 : i32
    %dma_start3A_13 = arith.constant 0 : i32
    %dma_start3A_14 = tpu.memref_slice %arg8[%dma_start3A_12, %dma_start3A_13] : memref<512x128xf32, #tpu.memory_space<vmem>> -> memref<256x128xf32, #tpu.memory_space<vmem>>
    %dma_start3A_15 = arith.constant 256 : i32
    %dma_start3A_16 = tpu.memref_slice %arg7[%dma_start3A_15] : memref<512xi32, #tpu.memory_space<vmem>> -> memref<256xi32, #tpu.memory_space<vmem>>
    %dma_start3A_17 = arith.constant 0 : i32
    %dma_start3A_18 = arith.constant 0 : i32
    %dma_start3A_19 = tpu.memref_slice %arg2[%dma_start3A_17, %dma_start3A_18] : memref<100000x128xf32, #tpu.memory_space<hbm>> -> memref<100000x128xf32, #tpu.memory_space<hbm>>
    tpu.enqueue_indirect_dma source(%dma_start3A_19 : memref<100000x128xf32, #tpu.memory_space<hbm>>) target(%dma_start3A_14 : memref<256x128xf32, #tpu.memory_space<vmem>>) offsets(%dma_start3A_16 : memref<256xi32, #tpu.memory_space<vmem>>) semaphore(%arg11 : memref<!tpu.dma_semaphore, #tpu.memory_space<semaphore_mem>>)
    %dma_wait3A = arith.constant 0 : i32
    %dma_wait3A_20 = arith.constant 0 : i32
    %dma_wait3A_21 = tpu.memref_slice %arg8[%dma_wait3A, %dma_wait3A_20] : memref<512x128xf32, #tpu.memory_space<vmem>> -> memref<256x128xf32, #tpu.memory_space<vmem>>
    %dma_wait3A_22 = arith.constant 0 : i32
    %dma_wait3A_23 = tpu.memref_slice %arg7[%dma_wait3A_22] : memref<512xi32, #tpu.memory_space<vmem>> -> memref<256xi32, #tpu.memory_space<vmem>>
    %dma_wait3A_24 = arith.constant 0 : i32
    %dma_wait3A_25 = arith.constant 0 : i32
    %dma_wait3A_26 = tpu.memref_slice %arg2[%dma_wait3A_24, %dma_wait3A_25] : memref<100000x128xf32, #tpu.memory_space<hbm>> -> memref<100000x128xf32, #tpu.memory_space<hbm>>
    tpu.wait_indirect_dma semaphore(%arg10 : memref<!tpu.dma_semaphore, #tpu.memory_space<semaphore_mem>>) src(%dma_wait3A_26 : memref<100000x128xf32, #tpu.memory_space<hbm>>) dst(%dma_wait3A_21 : memref<256x128xf32, #tpu.memory_space<vmem>>)
    %add3A_27 = arith.constant 0 : i32
    %add3A_28 = arith.addi %mul3A_2, %add3A_27 : i32
    %dma_start3A_29 = arith.constant 0 : i32
    %dma_start3A_30 = arith.constant 0 : i32
    %dma_start3A_31 = tpu.memref_slice %arg8[%dma_start3A_29, %dma_start3A_30] : memref<512x128xf32, #tpu.memory_space<vmem>> -> memref<256x128xf32, #tpu.memory_space<vmem>>
    %dma_start3A_32 = arith.constant 0 : i32
    %dma_start3A_33 = tpu.memref_slice %arg5[%add3A_28, %dma_start3A_32] : memref<16384x128xf32, #tpu.memory_space<hbm>> -> memref<256x128xf32, #tpu.memory_space<hbm>>
    %dma_start3A_34 = arith.constant 0 : i32
    %dma_start3A_35 = tpu.memref_slice %arg5[%add3A_28, %dma_start3A_34] : memref<16384x128xf32, #tpu.memory_space<hbm>> -> memref<256x128xf32, #tpu.memory_space<hbm>>
    %dma_start3A_36 = arith.constant 0 : i32
    %dma_start3A_37 = arith.constant 0 : i32
    %dma_start3A_38 = tpu.memref_slice %arg8[%dma_start3A_36, %dma_start3A_37] : memref<512x128xf32, #tpu.memory_space<vmem>> -> memref<256x128xf32, #tpu.memory_space<vmem>>
    tpu.enqueue_dma source(%dma_start3A_38 : memref<256x128xf32, #tpu.memory_space<vmem>>) target(%dma_start3A_35 : memref<256x128xf32, #tpu.memory_space<hbm>>) target_semaphore(%arg12 : memref<!tpu.dma_semaphore, #tpu.memory_space<semaphore_mem>>)
    %dma_wait3A_39 = arith.constant 256 : i32
    %dma_wait3A_40 = arith.constant 0 : i32
    %dma_wait3A_41 = tpu.memref_slice %arg8[%dma_wait3A_39, %dma_wait3A_40] : memref<512x128xf32, #tpu.memory_space<vmem>> -> memref<256x128xf32, #tpu.memory_space<vmem>>
    %dma_wait3A_42 = arith.constant 256 : i32
    %dma_wait3A_43 = tpu.memref_slice %arg7[%dma_wait3A_42] : memref<512xi32, #tpu.memory_space<vmem>> -> memref<256xi32, #tpu.memory_space<vmem>>
    %dma_wait3A_44 = arith.constant 0 : i32
    %dma_wait3A_45 = arith.constant 0 : i32
    %dma_wait3A_46 = tpu.memref_slice %arg2[%dma_wait3A_44, %dma_wait3A_45] : memref<100000x128xf32, #tpu.memory_space<hbm>> -> memref<100000x128xf32, #tpu.memory_space<hbm>>
    tpu.wait_indirect_dma semaphore(%arg11 : memref<!tpu.dma_semaphore, #tpu.memory_space<semaphore_mem>>) src(%dma_wait3A_46 : memref<100000x128xf32, #tpu.memory_space<hbm>>) dst(%dma_wait3A_41 : memref<256x128xf32, #tpu.memory_space<vmem>>)
    %add3A_47 = arith.constant 256 : i32
    %add3A_48 = arith.addi %mul3A_2, %add3A_47 : i32
    %dma_start3A_49 = arith.constant 256 : i32
    %dma_start3A_50 = arith.constant 0 : i32
    %dma_start3A_51 = tpu.memref_slice %arg8[%dma_start3A_49, %dma_start3A_50] : memref<512x128xf32, #tpu.memory_space<vmem>> -> memref<256x128xf32, #tpu.memory_space<vmem>>
    %dma_start3A_52 = arith.constant 0 : i32
    %dma_start3A_53 = tpu.memref_slice %arg5[%add3A_48, %dma_start3A_52] : memref<16384x128xf32, #tpu.memory_space<hbm>> -> memref<256x128xf32, #tpu.memory_space<hbm>>
    %dma_start3A_54 = arith.constant 0 : i32
    %dma_start3A_55 = tpu.memref_slice %arg5[%add3A_48, %dma_start3A_54] : memref<16384x128xf32, #tpu.memory_space<hbm>> -> memref<256x128xf32, #tpu.memory_space<hbm>>
    %dma_start3A_56 = arith.constant 256 : i32
    %dma_start3A_57 = arith.constant 0 : i32
    %dma_start3A_58 = tpu.memref_slice %arg8[%dma_start3A_56, %dma_start3A_57] : memref<512x128xf32, #tpu.memory_space<vmem>> -> memref<256x128xf32, #tpu.memory_space<vmem>>
    tpu.enqueue_dma source(%dma_start3A_58 : memref<256x128xf32, #tpu.memory_space<vmem>>) target(%dma_start3A_55 : memref<256x128xf32, #tpu.memory_space<hbm>>) target_semaphore(%arg13 : memref<!tpu.dma_semaphore, #tpu.memory_space<semaphore_mem>>)
    %dma_wait3A_59 = arith.constant 0 : i32
    %dma_wait3A_60 = tpu.memref_slice %arg3[%dma_wait3A_59] : memref<100000xf32, #tpu.memory_space<hbm>> -> memref<100000xf32, #tpu.memory_space<hbm>>
    tpu.wait_indirect_dma semaphore(%arg14 : memref<!tpu.dma_semaphore, #tpu.memory_space<semaphore_mem>>) src(%dma_wait3A_60 : memref<100000xf32, #tpu.memory_space<hbm>>) dst(%arg9 : memref<512xf32, #tpu.memory_space<vmem>>)
    %dma_start3A_61 = tpu.memref_slice %arg6[%mul3A_2] : memref<16384xf32, #tpu.memory_space<hbm>> -> memref<512xf32, #tpu.memory_space<hbm>>
    %dma_start3A_62 = tpu.memref_slice %arg6[%mul3A_2] : memref<16384xf32, #tpu.memory_space<hbm>> -> memref<512xf32, #tpu.memory_space<hbm>>
    tpu.enqueue_dma source(%arg9 : memref<512xf32, #tpu.memory_space<vmem>>) target(%dma_start3A_62 : memref<512xf32, #tpu.memory_space<hbm>>) target_semaphore(%arg15 : memref<!tpu.dma_semaphore, #tpu.memory_space<semaphore_mem>>)
    %dma_wait3A_63 = arith.constant 0 : i32
    %dma_wait3A_64 = arith.constant 0 : i32
    %dma_wait3A_65 = tpu.memref_slice %arg8[%dma_wait3A_63, %dma_wait3A_64] : memref<512x128xf32, #tpu.memory_space<vmem>> -> memref<256x128xf32, #tpu.memory_space<vmem>>
    %dma_wait3A_66 = arith.constant 0 : i32
    %dma_wait3A_67 = tpu.memref_slice %arg5[%add3A_28, %dma_wait3A_66] : memref<16384x128xf32, #tpu.memory_space<hbm>> -> memref<256x128xf32, #tpu.memory_space<hbm>>
    %dma_wait3A_68 = arith.constant 0 : i32
    %dma_wait3A_69 = tpu.memref_slice %arg5[%add3A_28, %dma_wait3A_68] : memref<16384x128xf32, #tpu.memory_space<hbm>> -> memref<256x128xf32, #tpu.memory_space<hbm>>
    %dma_wait3A_70 = arith.constant 0 : i32
    %dma_wait3A_71 = arith.constant 0 : i32
    %dma_wait3A_72 = tpu.memref_slice %arg8[%dma_wait3A_70, %dma_wait3A_71] : memref<512x128xf32, #tpu.memory_space<vmem>> -> memref<256x128xf32, #tpu.memory_space<vmem>>
    tpu.wait_dma2 semaphore(%arg12 : memref<!tpu.dma_semaphore, #tpu.memory_space<semaphore_mem>>) src(%dma_wait3A_72 : memref<256x128xf32, #tpu.memory_space<vmem>>) dst(%dma_wait3A_69 : memref<256x128xf32, #tpu.memory_space<hbm>>)
    %dma_wait3A_73 = arith.constant 256 : i32
    %dma_wait3A_74 = arith.constant 0 : i32
    %dma_wait3A_75 = tpu.memref_slice %arg8[%dma_wait3A_73, %dma_wait3A_74] : memref<512x128xf32, #tpu.memory_space<vmem>> -> memref<256x128xf32, #tpu.memory_space<vmem>>
    %dma_wait3A_76 = arith.constant 0 : i32
    %dma_wait3A_77 = tpu.memref_slice %arg5[%add3A_48, %dma_wait3A_76] : memref<16384x128xf32, #tpu.memory_space<hbm>> -> memref<256x128xf32, #tpu.memory_space<hbm>>
    %dma_wait3A_78 = arith.constant 0 : i32
    %dma_wait3A_79 = tpu.memref_slice %arg5[%add3A_48, %dma_wait3A_78] : memref<16384x128xf32, #tpu.memory_space<hbm>> -> memref<256x128xf32, #tpu.memory_space<hbm>>
    %dma_wait3A_80 = arith.constant 256 : i32
    %dma_wait3A_81 = arith.constant 0 : i32
    %dma_wait3A_82 = tpu.memref_slice %arg8[%dma_wait3A_80, %dma_wait3A_81] : memref<512x128xf32, #tpu.memory_space<vmem>> -> memref<256x128xf32, #tpu.memory_space<vmem>>
    tpu.wait_dma2 semaphore(%arg13 : memref<!tpu.dma_semaphore, #tpu.memory_space<semaphore_mem>>) src(%dma_wait3A_82 : memref<256x128xf32, #tpu.memory_space<vmem>>) dst(%dma_wait3A_79 : memref<256x128xf32, #tpu.memory_space<hbm>>)
    %dma_wait3A_83 = tpu.memref_slice %arg6[%mul3A_2] : memref<16384xf32, #tpu.memory_space<hbm>> -> memref<512xf32, #tpu.memory_space<hbm>>
    %dma_wait3A_84 = tpu.memref_slice %arg6[%mul3A_2] : memref<16384xf32, #tpu.memory_space<hbm>> -> memref<512xf32, #tpu.memory_space<hbm>>
    tpu.wait_dma2 semaphore(%arg15 : memref<!tpu.dma_semaphore, #tpu.memory_space<semaphore_mem>>) src(%arg9 : memref<512xf32, #tpu.memory_space<vmem>>) dst(%dma_wait3A_84 : memref<512xf32, #tpu.memory_space<hbm>>)
    return
  }
}

</mosaic_0001>

<sc_bundles>
// kernel: kernel.3.cloned.1.call-start
scs
__scs_entry_jumppad:
0x0: {  	(pc) =	sbr.rel $0x88, $3  }
0x1: {  	(tag) =	ssettag $0x0;
	lr =	simm.s32 $0x1  }
0x2: {  	[smem:$0x3F9E] =	sst lr;
	_ =	strace $0xD0000000  }
0x3: {  	_ = 	snop  }
0x4: {  	_ = 	snop  }
0x5: {  	_ = 	snop  }
0x6: {  	_ = 	snop  }
0x7: {  	_ = 	snop  }
__scs_overlays_trampoline_lowered:
0x8: {  	[smem:$0x3FAD] =	sst s0  }
0x9: {  	[smem:$0x3FAE] =	sst s1  }
0xa: {  	[smem:$0x3FAF] =	sst s2  }
0xb: {  	[smem:$0x3FB0] =	sst s3  }
0xc: {  	[smem:$0x3FB1] =	sst s4  }
0xd: {  	[smem:$0x3FB2] =	sst s5  }
0xe: {  	[smem:$0x3FB3] =	sst s6  }
0xf: {  	[smem:$0x3FB4] =	sst s7  }
0x10: {  	[smem:$0x3FB5] =	sst s8  }
0x11: {  	[smem:$0x3FB6] =	sst s9;
	s0 =	simm.s32 @!p0 $0x0  }
0x12: {  	s1 =	sld [smem:$0x3F9C];
	s0 =	simm.s32 @p0 $0x1  }
0x13: {  	[smem:$0x3FB7] =	sst s0;
	s0 =	simm.s32 @!p1 $0x0  }
0x14: {  	s2 =	sld [smem:$0x3F9B];
	s0 =	simm.s32 @p1 $0x1  }
0x15: {  	[smem:$0x3FB8] =	sst s0;
	s0 =	simm.s32 @!p2 $0x0  }
0x16: {  	s3 =	sld [smem:$0x3FDB];
	s0 =	simm.s32 @p2 $0x1  }
0x17: {  	s4 =	simm.s32 $0x1BF5;
	[smem:$0x3FBA] =	sst s0  }
0x18: {  	s0 =	sld [smem:$0x3F9D];
	_ =	swait.ge [sflag:s4], $0x0  }
0x19: {  	s7 =	sld [smem:$0x3F9E]  }
0x1a: {  	s8 =	sadd.s32 $0xFFFFE003, lr  }
0x1b: {  	s9 =	sadd.s32 $0xFFFFFEF7, lr;
	s5 =	simm.s32 $0xFFFFFFFF;
	p2 =	slt.u32 s8, $0xFFFFF086  }
0x1c: {  	p1 =	slt.u32 s9, $0xF7A;
	s5 =	simm.s32 @!p2 $0x0  }
0x1d: {  	s5 =	simm.s32 @p1 $0x1;
	p0 =	seq.s32 s7, s2  }
0x1e: {  	s7 =	smul.u32 @!p0 $0xF7A, s2;
	p2 =	seq.s32 @!p0 s5, $0x0  }
0x1f: {  	s9 =	smul.u32 $0xF7A, s1;
	s8 =	simm.s32 @!p0 $0x1BF5;
	p2 =	por !p2, p0  }
0x20: {  	[sflag:s8] =	ssyncset.s32 @!p0 $0xFFFFF086;
	s6 =	sadd.s32 @!p0 s3, s7;
	s7 =	simm.s32 @!p0 $0x108  }
0x21: {  	s3 =	sadd.s32 s3, s9;
	s6 =	sadd.s32 @!p0 $0x88, s6;
	s7 =	simm.s32 @p2 $0x1082  }
0x22: {  	[simem:s7], [sflag:s8] =	dma.local @!p0 [hbm:s6], $0xF7A  }
0x23: {  	s9 =	sor.u32 $0xD0000000, s2;
	s6 =	simm.s32 $0x108;
	_ =	swait.ge @!p0 [sflag:s8], $0x0  }
0x24: {  	s3 =	sadd.s32 $0x88, s3;
	s6 =	simm.s32 @!p1 $0x1082;
	[sflag:s4] =	ssyncset.s32 $0xFFFFF086  }
0x25: {  	[simem:s6], [sflag:s4] =	dma.local [hbm:s3], $0xF7A  }
0x26: {  	[smem:$0x3F9E] =	sst s1;
	(tag) =	ssettag s2;
	_ =	strace s9  }
0x27: {  	s1 =	sld [smem:$0x3FAE]  }
0x28: {  	s2 =	sld [smem:$0x3FAF]  }
0x29: {  	s4 =	sld [smem:$0x3FB1]  }
0x2a: {  	p0 =	seq.s32 s5, $0x0;
	s5 =	sld [smem:$0x3FB2]  }
0x2b: {  	s6 =	sld [smem:$0x3FB3]  }
0x2c: {  	s7 =	sld [smem:$0x3FB4]  }
0x2d: {  	s3 =	simm.s32 $0x108;
	s8 =	sld [smem:$0x3FB5]  }
0x2e: {  	s3 =	simm.s32 @!p0 $0x1082;
	s9 =	sld [smem:$0x3FB6]  }
0x2f: {  	lr =	sadd.s32 s0, s3;
	s0 =	sld [smem:$0x3FAD]  }
0x30: {  	s3 =	sld [smem:$0x3FB0]  }
0x31: {  	[smem:$0x3FB9] =	sst s10  }
0x32: {  	s10 =	sld [smem:$0x3FB7];
	_ =	sdelay $0x3  }
0x33: {  	p0 =	seq.s32 s10, $0x1;
	s10 =	sld [smem:$0x3FB9];
	_ =	sdelay $0x3  }
0x34: {  	[smem:$0x3FB9] =	sst s10  }
0x35: {  	s10 =	sld [smem:$0x3FB8];
	_ =	sdelay $0x3  }
0x36: {  	p1 =	seq.s32 s10, $0x1;
	s10 =	sld [smem:$0x3FB9];
	_ =	sdelay $0x3  }
0x37: {  	[smem:$0x3FB9] =	sst s10  }
0x38: {  	s10 =	sld [smem:$0x3FBA]  }
0x39: {  	_ = 	snop;
	(pc) =	sbr.ind lr, $3  }
0x3a: {  	_ = 	snop  }
0x3b: {  	_ = 	snop  }
0x3c: {  	p2 =	seq.s32 s10, $0x1;
	s10 =	sld [smem:$0x3FB9]  }
0x3d: {  	_ =	shalt  }
0x3e: {  	_ =	shalt  }
0x3f: {  	_ =	shalt  }
0x40: {  	_ =	shalt  }
0x41: {  	_ =	shalt  }
0x42: {  	_ =	shalt  }
0x43: {  	_ =	shalt  }
0x44: {  	_ =	shalt  }
0x45: {  	_ =	shalt  }
0x46: {  	_ =	shalt  }
0x47: {  	_ =	shalt  }
0x48: {  	_ =	shalt  }
0x49: {  	_ =	shalt  }
0x4a: {  	_ =	shalt  }
0x4b: {  	_ =	shalt  }
0x4c: {  	_ =	shalt  }
0x4d: {  	_ =	shalt  }
0x4e: {  	_ =	shalt  }
0x4f: {  	_ =	shalt  }
0x50: {  	_ =	shalt  }
0x51: {  	_ =	shalt  }
0x52: {  	_ =	shalt  }
0x53: {  	_ =	shalt  }
0x54: {  	_ =	shalt  }
0x55: {  	_ =	shalt  }
0x56: {  	_ =	shalt  }
0x57: {  	_ =	shalt  }
0x58: {  	_ =	shalt  }
0x59: {  	_ =	shalt  }
0x5a: {  	_ =	shalt  }
0x5b: {  	_ =	shalt  }
0x5c: {  	_ =	shalt  }
0x5d: {  	_ =	shalt  }
0x5e: {  	_ =	shalt  }
0x5f: {  	_ =	shalt  }
0x60: {  	_ =	shalt  }
0x61: {  	_ =	shalt  }
0x62: {  	_ =	shalt  }
0x63: {  	_ =	shalt  }
0x64: {  	_ =	shalt  }
0x65: {  	_ =	shalt  }
0x66: {  	_ =	shalt  }
0x67: {  	_ =	shalt  }
0x68: {  	_ =	shalt  }
0x69: {  	_ =	shalt  }
0x6a: {  	_ =	shalt  }
0x6b: {  	_ =	shalt  }
0x6c: {  	_ =	shalt  }
0x6d: {  	_ =	shalt  }
0x6e: {  	_ =	shalt  }
0x6f: {  	_ =	shalt  }
0x70: {  	_ =	shalt  }
0x71: {  	_ =	shalt  }
0x72: {  	_ =	shalt  }
0x73: {  	_ =	shalt  }
0x74: {  	_ =	shalt  }
0x75: {  	_ =	shalt  }
0x76: {  	_ =	shalt  }
0x77: {  	_ =	shalt  }
0x78: {  	_ =	shalt  }
0x79: {  	_ =	shalt  }
0x7a: {  	_ =	shalt  }
0x7b: {  	_ =	shalt  }
0x7c: {  	_ =	shalt  }
0x7d: {  	_ =	shalt  }
0x7e: {  	_ =	shalt  }
0x7f: {  	_ =	shalt  }
0x80: {  	_ =	shalt  }
0x81: {  	_ =	shalt  }
0x82: {  	_ =	shalt  }
0x83: {  	_ =	shalt  }
0x84: {  	_ =	shalt  }
0x85: {  	_ =	shalt  }
0x86: {  	_ =	shalt  }
0x87: {  	_ =	shalt  }
.Lfunc_end0:
.L_simem_size_0:
called_computation_lowered:
.L_overlay_start_0:
0x88: {  	s2 =	sld [smem:$0x3FD9]  }
0x89: {  	s3 =	sld [smem:$0x3FFE];
	_ =	sdelay $0x1  }
0x8a: {  	s1 =	srdreg.scid  }
0x8b: {  	s0 =	sand.u32 $0x1, s1  }
0x8c: {  	s15 =	sshll.u32 s0, $0xA;
	s2 =	sadd.s32 s3, s2  }
0x8d: {  	s2 =	sadd.s32 s2, s15  }
0x8e: {  	[smem:$0x3FC5] =	sst s2  }
0x8f: {  	_ = 	snop  }
0x90: {  	s2 =	sld [smem:$0x3FD0]  }
0x91: {  	s16 =	sld [smem:$0x3FC9]  }
0x92: {  	s4 =	sld [smem:$0x3FC8]  }
0x93: {  	s6 =	simm.s32 $0xA;
	s7 =	simm.s32 $0x10;
	s5 =	sld [smem:$0x3FC7]  }
0x94: {  	[smem:s7], [sflag:s6] =	dma.local [hbm:s2], $0x1  }
0x95: {  	_ =	swait.eq [sflag:s6], $0x1  }
0x96: {  	[sflag:s6] =	ssyncset.done $0x0  }
0x97: {  	s17 =	sld [smem:$0x10];
	[sflag:s6] =	ssyncadd.s32 $0xFFFFFFFF  }
0x98: {  	s18 =	sld [smem:$0x11];
	(tm) =	ssettm $0x1  }
0x99: {  	s19 =	sld [smem:$0x3FFB];
	_ =	sdelay $0x3  }
0x9a: {  	_ =	strace s19  }
0x9b: {  	s7 =	sld [smem:$0x3FFC];
	_ =	sdelay $0x3  }
0x9c: {  	_ =	strace s7  }
0x9d: {  	s7 =	sld [smem:$0x3FFD];
	_ =	sdelay $0x3  }
0x9e: {  	_ =	strace s7  }
0x9f: {  	_ =	strace $0x8FFFFFFF  }
0xa0: {  	s20 =	sld [smem:$0x3FDB];
	_ =	sdelay $0x1  }
0xa1: {  	s8 =	simm.s32 $_scs_section_size  }
0xa2: {  	s9 =	simm.s32 $_size__tile_overlayer_lowered;
	s10 =	simm.s32 $_tile_overlayer_lowered  }
0xa3: {  	s23 =	simm.s32 $0x1BFF;
	s22 =	sshll.u32 s10, $0x1;
	s7 =	sadd.s32 s8, s20  }
0xa4: {  	s11 =	simm.s32 $0x0;
	s21 =	sshll.u32 s9, $0x1;
	s9 =	sadd.s32 s22, s7  }
0xa5: {  	[timem:s11], [sflag:s23] =	dma.local [hbm:s9], s21  }
0xa6: {  	_ =	swait.ge [sflag:s23], s21  }
0xa7: {  	s8 =	ssub.s32 $0x0, s21;
	[sflag:s23] =	ssyncset.done $0x0  }
0xa8: {  	[sflag:s23] =	ssyncadd.s32 s8;
	_ =	sdelay $0x1  }
0xa9: {  	s24 =	simm.s32 $0x1B8B  }
0xaa: {  	_ =	swait.ge [sflag:s24], $0x1  }
0xab: {  	[sflag:s24] =	ssyncset.done $0x0  }
0xac: {  	s25 =	simm.s32 $0x1B8E;
	[sflag:s24] =	ssyncadd.s32 $0xFFFFFFFF  }
0xad: {  	s26 =	simm.s32 $execute0_lowered;
	[smem:$0x3FD2] =	sst s25  }
0xae: {  	s8 =	sshll.u32 s26, $0x1;
	_ =	strace $0x80000046;
	[dreg:$0x1] =	wrdreg $0xFFFFFFFF  }
0xaf: {  	s28 =	simm.s32 $_size_execute0_lowered;
	s7 =	sadd.s32 s7, s8;
	[dreg:$0x0] =	wrdreg $0x0  }
0xb0: {  	s8 =	sshll.u32 s28, $0x1;
	[dreg:$0x2] =	wrdreg s7  }
0xb1: {  	[dreg:$0x3] =	wrdreg s8  }
0xb2: {  	[dreg:$0x4] =	wrdreg $0xC0  }
0xb3: {  	_ =	task [dreg:s11], $0x5FFFF  }
0xb4: {  	[dreg:$0x1] =	wrdreg $0xFFFFFFFF  }
0xb5: {  	[dreg:$0x0] =	wrdreg $0x60  }
0xb6: {  	[dreg:$0x2] =	wrdreg s4  }
0xb7: {  	[dreg:$0x3] =	wrdreg s5  }
0xb8: {  	[dreg:$0x4] =	wrdreg s16  }
0xb9: {  	[dreg:$0x5] =	wrdreg s17  }
0xba: {  	[dreg:$0x6] =	wrdreg s18  }
0xbb: {  	[dreg:$0x7] =	wrdreg $0x9  }
0xbc: {  	_ =	task.clear_ibuf [dreg:s11], $0x8FFFF;
	_ =	strace $0x90000046  }
0xbd: {  	s29 =	simm.s32 $0x9;
	_ =	strace $0x80000048  }
0xbe: {  	_ =	swait.ge [sflag:s29], $0x1  }
0xbf: {  	[sflag:s29] =	ssyncadd.s32 $0xFFFFFFFF  }
0xc0: {  	_ =	strace $0x90000048  }
0xc1: {  	_ =	sfence  }
0xc2: {  	s30 =	sld [smem:$0x0];
	_ =	sdelay $0x2  }
0xc3: {  	s31 =	sshll.u32 s1, $0xD;
	s1 =	sshrl.u32 s1, $0x2  }
0xc4: {  	s3 =	sand.u32 $0x4000, s31;
	s1 =	sadd.s32 s1, s30  }
0xc5: {  	s0 =	sor.u32 s3, s0;
	s1 =	sshll.u32 s1, $0x11  }
0xc6: {  	s0 =	sor.u32 s1, s0  }
0xc7: {  	s0 =	sadd.s32 $0x8F2B, s0  }
0xc8: {  	[sflag:s0] =	ssyncadd.remote.s32 $0x1  }
0xc9: {  	_ =	sfence.sel $0xFFFF  }
0xca: {  	[dreg:$0x0] =	wrdreg $0xFFFFFFFF;
	(pc) =	sbr.abs _section_cstart, $3  }
0xcb: {  	[dreg:$0x1] =	wrdreg $0xFFFFFFFF  }
0xcc: {  	_ =	task.clear_ibuf [dreg:s11], $0x2FFFF;
	_ =	strace $0x9FFFFFFF  }
0xcd: {  	(tm) =	ssettm $0x7FFFFFFF  }
tec
execute0_lowered:
.L_overlay_start_1:
0x0: {  	(tag) =	ssettag $0x1  }
0x1: {  	s1 =	rddreg [dreg:$0x0]  }
0x2: {  	s2 =	rddreg [dreg:$0x1]  }
0x3: {  	s5 =	rddreg [dreg:$0x2];
	s3 =	srdreg.scid  }
0x4: {  	s12 =	rddreg [dreg:$0x3];
	s0 =	stileid.u32;
	s18 =	sand.u32 $0x1, s3  }
0x5: {  	s16 =	rddreg [dreg:$0x4];
	s6 =	sshll.u32 s0, $0xA;
	s7 =	sshll.u32 s18, $0x9  }
0x6: {  	s4 =	simm.s32 $0x0;
	s3 =	rddreg [dreg:$0x5];
	s13 =	sor.u32 s7, s6  }
0x7: {  	[smem:$0x7FF] =	sst s4;
	s17 =	sshrl.u32 s13, $0x3  }
0x8: {  	_ =	strace $0x80000047;
	s6 =	simm.s32 $0x7;
	s5 =	sadd.s32 s5, s17  }
0x9: {  	[tilespmem:s4], [sflag:$0x7] =	stream.linear.gather [hbm4b:s5+s4], $0x200, $0x38;
	[tilespmem:$0x10400] =	vst v63  }
0xa: {  	_ =	swait.ge [sflag:s6], $0x200  }
0xb: {  	[sflag:s6] =	ssyncset.done $0x0  }
0xc: {  	s8 =	simm.s32 $0x10200;
	s7 =	simm.s32 $0x200;
	[sflag:s6] =	ssyncadd.s32 $0xFFFFFE00  }
0xd: {  	[tilespmem:s8], [sflag:$0x5] =	stream.indirect.gather [hbm4b:s2+s7], $0x1, s4, s7, $0xb8;
	[tilespmem:$0x10400] =	vst v63  }
0xe: {  	s9 =	simm.s32 $0x100  }
0xf: {  	[tilespmem:s7], [sflag:$0x1] =	stream.indirect.gather [hbm4b:s1+s9], $0x80, s4, s9, $0xb8;
	[tilespmem:$0x10400] =	vst v63  }
0x10: {  	s10 =	simm.s32 $0x8200;
	s11 =	simm.s32 $0x1  }
0x11: {  	[tilespmem:s10], [sflag:$0x2] =	stream.indirect.gather [hbm4b:s1+s9], $0x80, s9, s9, $0xb8;
	[tilespmem:$0x10400] =	vst v63  }
0x12: {  	_ =	swait.ge [sflag:s11], $0x8000  }
0x13: {  	s13 =	sshll.u32 s13, $0x4;
	[sflag:s11] =	ssyncset.done $0x0  }
0x14: {  	s12 =	sadd.s32 s12, s13;
	s13 =	simm.s32 $0x2;
	[sflag:s11] =	ssyncadd.s32 $0xFFFF8000  }
0x15: {  	[hbm4b:s12+s4] =	stream.linear.scatter [tilespmem:s7], [sflag:$0x3], $0x8000, $0x38;
	[tilespmem:$0x10400] =	vst v63  }
0x16: {  	_ =	swait.ge [sflag:s13], $0x8000  }
0x17: {  	[sflag:s13] =	ssyncset.done $0x0  }
0x18: {  	s15 =	simm.s32 $0x5;
	s14 =	sadd.s32 $0x1000, s12;
	[sflag:s13] =	ssyncadd.s32 $0xFFFF8000  }
0x19: {  	[hbm4b:s14+s4] =	stream.linear.scatter [tilespmem:s10], [sflag:$0x4], $0x8000, $0x38;
	[tilespmem:$0x10400] =	vst v63  }
0x1a: {  	s19 =	ssub.s32 $0x2, s18;
	_ =	swait.ge [sflag:s15], $0x200  }
0x1b: {  	s20 =	sshrl.u32 s19, $0x1;
	[sflag:s15] =	ssyncset.done $0x0  }
0x1c: {  	s16 =	sadd.s32 s16, s17;
	s17 =	simm.s32 $0x3;
	[sflag:s15] =	ssyncadd.s32 $0xFFFFFE00  }
0x1d: {  	[hbm4b:s16+s4] =	stream.linear.scatter [tilespmem:s8], [sflag:$0x6], $0x200, $0x38;
	[tilespmem:$0x10400] =	vst v63  }
0x1e: {  	s19 =	ssub.s32 s19, s20;
	_ =	swait.ge [sflag:s17], $0x8000  }
0x1f: {  	s20 =	smax.u32 s19, $0x1;
	[sflag:s17] =	ssyncset.done $0x0  }
0x20: {  	s18 =	simm.s32 $0x4;
	p0 =	sne.s32 s20, $0x1;
	[sflag:s17] =	ssyncadd.s32 $0xFFFF8000  }
.Ltmp0:
0x21: {  	_ =	swait.ge [sflag:s18], $0x8000;
	(pc) =	sbr.rel @!p0 .LBB2_2-.Ltmp0, $4  }
0x22: {  	[sflag:s18] =	ssyncset.done $0x0  }
0x23: {  	s19 =	simm.s32 $0x6;
	[sflag:s18] =	ssyncadd.s32 $0xFFFF8000  }
0x24: {  	_ =	swait.ge [sflag:s19], $0x200  }
0x25: {  	s20 =	sadd.s32 $0xFFFFFFFF, s20;
	[sflag:s19] =	ssyncset.done $0x0  }
.LBB2_1:
0x26: {  	p0 =	sne.s32 s20, $0x1;
	s20 =	sadd.s32 $0xFFFFFFFF, s20;
	[sflag:s19] =	ssyncadd.s32 $0xFFFFFE00  }
0x27: {  	[tilespmem:s4], [sflag:$0x7] =	stream.linear.gather [hbm4b:s5+s4], $0x200, $0x38;
	[tilespmem:$0x10400] =	vst v63  }
0x28: {  	_ =	swait.ge [sflag:s6], $0x200  }
0x29: {  	[sflag:s6] =	ssyncset.done $0x0  }
0x2a: {  	[sflag:s6] =	ssyncadd.s32 $0xFFFFFE00  }
0x2b: {  	[tilespmem:s8], [sflag:$0x5] =	stream.indirect.gather [hbm4b:s2+s7], $0x1, s4, s7, $0xb8;
	[tilespmem:$0x10400] =	vst v63  }
0x2c: {  	_ = 	snop  }
0x2d: {  	[tilespmem:s7], [sflag:$0x1] =	stream.indirect.gather [hbm4b:s1+s9], $0x80, s4, s9, $0xb8;
	[tilespmem:$0x10400] =	vst v63  }
0x2e: {  	_ = 	snop  }
0x2f: {  	[tilespmem:s10], [sflag:$0x2] =	stream.indirect.gather [hbm4b:s1+s9], $0x80, s9, s9, $0xb8;
	[tilespmem:$0x10400] =	vst v63  }
0x30: {  	_ =	swait.ge [sflag:s11], $0x8000  }
0x31: {  	[sflag:s11] =	ssyncset.done $0x0  }
0x32: {  	[sflag:s11] =	ssyncadd.s32 $0xFFFF8000  }
0x33: {  	[hbm4b:s12+s4] =	stream.linear.scatter [tilespmem:s7], [sflag:$0x3], $0x8000, $0x38;
	[tilespmem:$0x10400] =	vst v63  }
0x34: {  	_ =	swait.ge [sflag:s13], $0x8000  }
0x35: {  	[sflag:s13] =	ssyncset.done $0x0  }
0x36: {  	[sflag:s13] =	ssyncadd.s32 $0xFFFF8000  }
0x37: {  	[hbm4b:s14+s4] =	stream.linear.scatter [tilespmem:s10], [sflag:$0x4], $0x8000, $0x38;
	[tilespmem:$0x10400] =	vst v63  }
0x38: {  	_ =	swait.ge [sflag:s15], $0x200  }
0x39: {  	[sflag:s15] =	ssyncset.done $0x0  }
0x3a: {  	[sflag:s15] =	ssyncadd.s32 $0xFFFFFE00  }
0x3b: {  	[hbm4b:s16+s4] =	stream.linear.scatter [tilespmem:s8], [sflag:$0x6], $0x200, $0x38;
	[tilespmem:$0x10400] =	vst v63  }
0x3c: {  	_ =	swait.ge [sflag:s17], $0x8000  }
0x3d: {  	[sflag:s17] =	ssyncset.done $0x0  }
0x3e: {  	[sflag:s17] =	ssyncadd.s32 $0xFFFF8000  }
.Ltmp1:
0x3f: {  	_ =	swait.ge [sflag:s18], $0x8000;
	(pc) =	sbr.rel @p0 .LBB2_1-.Ltmp1, $4  }
0x40: {  	[sflag:s18] =	ssyncset.done $0x0  }
0x41: {  	[sflag:s18] =	ssyncadd.s32 $0xFFFF8000  }
0x42: {  	_ =	swait.ge [sflag:s19], $0x200  }
0x43: {  	[sflag:s19] =	ssyncset.done $0x0  }
.LBB2_2:
0x44: {  	[sflag:s19] =	ssyncadd.s32 $0xFFFFFE00  }
0x45: {  	_ =	sfence.sel $0x180000  }
0x46: {  	[bflag:$0x0] =	sbarrier.arrive $0xFFFF  }
0x47: {  	p0 =	sne.s32 s0, $0x0;
	_ =	strace $0x90000047  }
0x48: {  	s0 =	sadd.s32 @!p0 $0x100000, s3;
	[bflag:$0x2] =	sbarrier.arrive $0xFFFF  }
0x49: {  	[sflag:s0] =	ssyncadd.tile.s32 @!p0 $0x1;
	_ =	shalt  }
.Lfunc_end2:
_tile_overlayer_lowered:
.L_overlay_start_2:
0x4a: {  	(tag) =	ssettag $0x2  }
0x4b: {  	s0 =	rddreg [dreg:$0x0];
	s2 =	stileid.u32  }
0x4c: {  	s1 =	rddreg [dreg:$0x1];
	p0 =	sne.s32 s2, $0x0  }
0x4d: {  	s3 =	rddreg [dreg:$0x2];
	[bflag:$0x3] =	sbarrier.arrive $0xFFFF;
	s2 =	simm.s32 @!p0 $0x1C07  }
0x4e: {  	[timem:s3], [sflag:s2] =	dma.local @!p0 [hbm:s0], s1  }
0x4f: {  	s0 =	simm.s32 @!p0 $0x7  }
0x50: {  	_ =	swait.ge @!p0 [sflag:s0], s1  }
0x51: {  	s1 =	ssub.s32 @!p0 $0x0, s1;
	[sflag:s0] =	ssyncset.done @!p0 $0x0  }
0x52: {  	[sflag:s0] =	ssyncadd.s32 @!p0 s1  }
0x53: {  	[bflag:$0x3] =	sbarrier.arrive $0xFFFF  }
0x54: {  	_ =	shalt  }

</sc_bundles>
